<compile_context>
chip_gen: v7x
topology: tpu7x:2x2x1
jax: 0.10.2.dev20260603
libtpu: 0.0.44.dev20260713+nightly
codegen_flags: <defaults>
</compile_context>

<pallas_src>
import functools

import jax
import jax.numpy as jnp
from jax import lax
from jax.experimental import pallas as pl
from jax.experimental.pallas import tpu as pltpu
from jax.experimental.pallas import tpu_sc as plsc

_D = 32
_LANES = 16
_BC = 49152


def _phase1(ut_ref, it_ref, ub_ref, ib_ref, wu_ref, wi_ref, su_ref, si_ref):
    su_ref[...] = (jnp.dot(wu_ref[...], ut_ref[...],
                           preferred_element_type=jnp.float32)
                   + ub_ref[...])[0, :]
    si_ref[...] = (jnp.dot(wi_ref[...], it_ref[...],
                           preferred_element_type=jnp.float32)
                   + ib_ref[...])[0, :]


def _phase2(b_per_w,
            uid_hbm, iid_hbm, su_hbm, si_hbm, b16_hbm,
            out_hbm,
            uid_v, iid_v, sug_v, sig_v, b_v, out_v, sem):
    wid = lax.axis_index("s") * 2 + lax.axis_index("c")
    base = wid * b_per_w

    pltpu.sync_copy(uid_hbm.at[pl.ds(base, b_per_w)], uid_v)
    pltpu.sync_copy(iid_hbm.at[pl.ds(base, b_per_w)], iid_v)
    pltpu.sync_copy(b16_hbm, b_v)

    cp_u = pltpu.async_copy(su_hbm.at[uid_v], sug_v, sem)
    cp_i = pltpu.async_copy(si_hbm.at[iid_v], sig_v, sem)
    cp_u.wait()
    cp_i.wait()

    b_vec = b_v[...]

    def blk(i, carry):
        rbase = i * _LANES
        acc = sug_v[pl.ds(rbase, _LANES)] + sig_v[pl.ds(rbase, _LANES)]
        out_v[pl.ds(rbase, _LANES)] = jnp.clip(acc + b_vec, 0.5, 5.0)
        return carry

    lax.fori_loop(0, b_per_w // _LANES, blk, 0)

    pltpu.sync_copy(out_v, out_hbm.at[pl.ds(base, b_per_w)])


def kernel(user_ids, item_ids, user_emb, item_emb, user_bias_tab, item_bias_tab, W, b):
    batch = user_ids.shape[0]
    n_workers = 32
    b_per_w = batch // n_workers
    n_rows = user_emb.shape[0]

    ut = user_emb.T
    it = item_emb.T
    ub_t = user_bias_tab.T
    ib_t = item_bias_tab.T
    wu = W[0, :_D].reshape(1, _D)
    wi = W[0, _D:].reshape(1, _D)
    b16 = jnp.full((_LANES,), b[0], jnp.float32)

    nb = (n_rows + _BC - 1) // _BC
    su, si = pl.pallas_call(
        _phase1,
        grid=(nb,),
        in_specs=[
            pl.BlockSpec((_D, _BC), lambda i: (0, i)),
            pl.BlockSpec((_D, _BC), lambda i: (0, i)),
            pl.BlockSpec((1, _BC), lambda i: (0, i)),
            pl.BlockSpec((1, _BC), lambda i: (0, i)),
            pl.BlockSpec((1, _D), lambda i: (0, 0)),
            pl.BlockSpec((1, _D), lambda i: (0, 0)),
        ],
        out_specs=[
            pl.BlockSpec((_BC,), lambda i: (i,)),
            pl.BlockSpec((_BC,), lambda i: (i,)),
        ],
        out_shape=[
            jax.ShapeDtypeStruct((n_rows,), jnp.float32),
            jax.ShapeDtypeStruct((n_rows,), jnp.float32),
        ],
    )(ut, it, ub_t, ib_t, wu, wi)

    mesh = plsc.VectorSubcoreMesh(core_axis_name="c", subcore_axis_name="s")
    out = pl.kernel(
        functools.partial(_phase2, b_per_w),
        out_type=jax.ShapeDtypeStruct((batch,), jnp.float32),
        mesh=mesh,
        compiler_params=pltpu.CompilerParams(
            needs_layout_passes=False, use_tc_tiling_on_sc=False),
        scratch_types=[
            pltpu.VMEM((b_per_w,), jnp.int32),
            pltpu.VMEM((b_per_w,), jnp.int32),
            pltpu.VMEM((b_per_w,), jnp.float32),
            pltpu.VMEM((b_per_w,), jnp.float32),
            pltpu.VMEM((_LANES,), jnp.float32),
            pltpu.VMEM((b_per_w,), jnp.float32),
            pltpu.SemaphoreType.DMA,
        ],
    )(user_ids, item_ids, su, si, b16)
    return out.reshape(batch, 1)

# --- scband reference (transcript-rebuilt; emitter-appended) ---
"""Pipeline reference for scband-model-62440234549249 (READ-ONLY COPY).

The authoritative reference and input builder live on the scoring server;
editing this copy changes nothing except your own understanding.
"""

import jax, jax.numpy as jnp
import numpy as np

NUM_USERS = 1000000
NUM_ITEMS = 1000000
EMBED_DIM = 32
BATCH = 16384
AVG_RATING = 3.5


def setup_inputs(seed: int = 0) -> dict:
    key = jax.random.key(seed)
    k1, k2, k3, k4, k5, k6, k7, k8 = jax.random.split(key, 8)
    user_ids = jax.random.randint(k1, (BATCH,), 0, NUM_USERS, dtype=jnp.int64 if jax.config.jax_enable_x64 else jnp.int32)
    item_ids = jax.random.randint(k2, (BATCH,), 0, NUM_ITEMS, dtype=jnp.int64 if jax.config.jax_enable_x64 else jnp.int32)
    user_emb = jax.random.normal(k3, (NUM_USERS, EMBED_DIM), dtype=jnp.float32)
    item_emb = jax.random.normal(k4, (NUM_ITEMS, EMBED_DIM), dtype=jnp.float32)
    user_bias_tab = jax.random.normal(k5, (NUM_USERS, 1), dtype=jnp.float32)
    item_bias_tab = jax.random.normal(k6, (NUM_ITEMS, 1), dtype=jnp.float32)
    bound = 1.0 / np.sqrt(EMBED_DIM * 2)
    W = jax.random.uniform(k7, (1, EMBED_DIM * 2), dtype=jnp.float32, minval=-bound, maxval=bound)
    b = jnp.full((1,), AVG_RATING, dtype=jnp.float32)
    return {
        'user_ids': user_ids,
        'item_ids': item_ids,
        'user_emb': user_emb,
        'item_emb': item_emb,
        'user_bias_tab': user_bias_tab,
        'item_bias_tab': item_bias_tab,
        'W': W,
        'b': b,
    }


def reference(user_ids, item_ids, user_emb, item_emb, user_bias_tab, item_bias_tab, W, b):
    user_embeds = jnp.take(user_emb, user_ids, axis=0)            # [B, D]
    item_embeds = jnp.take(item_emb, item_ids, axis=0)            # [B, D]
    embeds_concat = jnp.concatenate([user_embeds, item_embeds], axis=1)  # [B, 2D]
    user_bias = jnp.take(user_bias_tab, user_ids, axis=0)          # [B, 1]
    item_bias = jnp.take(item_bias_tab, item_ids, axis=0)          # [B, 1]
    prediction = embeds_concat @ W.T + b + user_bias + item_bias   # [B, 1]
    prediction = jnp.clip(prediction, 0.5, 5.0)
    return prediction

if __name__ == "__main__":
    import jax
    _d = setup_inputs()
    print(jax.jit(kernel)(*tuple(_d.values())))

</pallas_src>

<mosaic_0001>
#map = affine_map<(d0, d1) -> (0)>
module attributes {stable_mosaic.version = 14 : i64} {
  func.func @_phase2(%arg0: i32, %arg1: i32, %arg2: memref<16384xi32, #tpu.memory_space<hbm>>, %arg3: memref<16384xi32, #tpu.memory_space<hbm>>, %arg4: memref<1000000xf32, #tpu.memory_space<hbm>>, %arg5: memref<1000000xf32, #tpu.memory_space<hbm>>, %arg6: memref<16xf32, #tpu.memory_space<hbm>>, %arg7: memref<16384xf32, #tpu.memory_space<hbm>>, %arg8: memref<512xi32, #tpu.memory_space<vmem>>, %arg9: memref<512xi32, #tpu.memory_space<vmem>>, %arg10: memref<512xf32, #tpu.memory_space<vmem>>, %arg11: memref<512xf32, #tpu.memory_space<vmem>>, %arg12: memref<16xf32, #tpu.memory_space<vmem>>, %arg13: memref<512xf32, #tpu.memory_space<vmem>>, %arg14: memref<!tpu.dma_semaphore, #tpu.memory_space<semaphore_mem>>) attributes {dimension_semantics = [#tpu.dimension_semantics<core_parallel>, #tpu.dimension_semantics<subcore_parallel>], iteration_bounds = array<i64: 2, 16>, scalar_prefetch = 0 : i64, scratch_operands = 7 : i64, tpu.core_type = #tpu.core_type<sc_vector_subcore>, window_params = [{transform_indices = #map}, {transform_indices = #map}, {transform_indices = #map}, {transform_indices = #map}, {transform_indices = #map}, {transform_indices = #map}]} {
    %mul3A = arith.constant 2 : i32
    %mul3A_0 = arith.muli %arg1, %mul3A : i32
    %add3A = arith.addi %mul3A_0, %arg0 : i32
    %mul3A_1 = arith.constant 512 : i32
    %mul3A_2 = arith.muli %add3A, %mul3A_1 : i32
    "tpu.region"() ({
      %run_scoped3A = tpu.sem_alloc : memref<!tpu.dma_semaphore, #tpu.memory_space<semaphore_mem>>
      %dma_start3A_15 = tpu.memref_slice %arg2[%mul3A_2] : memref<16384xi32, #tpu.memory_space<hbm>> -> memref<512xi32, #tpu.memory_space<hbm>>
      %dma_start3A_16 = tpu.memref_slice %arg2[%mul3A_2] : memref<16384xi32, #tpu.memory_space<hbm>> -> memref<512xi32, #tpu.memory_space<hbm>>
      tpu.enqueue_dma source(%dma_start3A_16 : memref<512xi32, #tpu.memory_space<hbm>>) target(%arg8 : memref<512xi32, #tpu.memory_space<vmem>>) target_semaphore(%run_scoped3A : memref<!tpu.dma_semaphore, #tpu.memory_space<semaphore_mem>>)
      %dma_wait3A_17 = tpu.memref_slice %arg2[%mul3A_2] : memref<16384xi32, #tpu.memory_space<hbm>> -> memref<512xi32, #tpu.memory_space<hbm>>
      %dma_wait3A_18 = tpu.memref_slice %arg2[%mul3A_2] : memref<16384xi32, #tpu.memory_space<hbm>> -> memref<512xi32, #tpu.memory_space<hbm>>
      tpu.wait_dma2 semaphore(%run_scoped3A : memref<!tpu.dma_semaphore, #tpu.memory_space<semaphore_mem>>) src(%dma_wait3A_18 : memref<512xi32, #tpu.memory_space<hbm>>) dst(%arg8 : memref<512xi32, #tpu.memory_space<vmem>>)
      tpu.yield
    }) : () -> ()
    "tpu.region"() ({
      %run_scoped3A = tpu.sem_alloc : memref<!tpu.dma_semaphore, #tpu.memory_space<semaphore_mem>>
      %dma_start3A_15 = tpu.memref_slice %arg3[%mul3A_2] : memref<16384xi32, #tpu.memory_space<hbm>> -> memref<512xi32, #tpu.memory_space<hbm>>
      %dma_start3A_16 = tpu.memref_slice %arg3[%mul3A_2] : memref<16384xi32, #tpu.memory_space<hbm>> -> memref<512xi32, #tpu.memory_space<hbm>>
      tpu.enqueue_dma source(%dma_start3A_16 : memref<512xi32, #tpu.memory_space<hbm>>) target(%arg9 : memref<512xi32, #tpu.memory_space<vmem>>) target_semaphore(%run_scoped3A : memref<!tpu.dma_semaphore, #tpu.memory_space<semaphore_mem>>)
      %dma_wait3A_17 = tpu.memref_slice %arg3[%mul3A_2] : memref<16384xi32, #tpu.memory_space<hbm>> -> memref<512xi32, #tpu.memory_space<hbm>>
      %dma_wait3A_18 = tpu.memref_slice %arg3[%mul3A_2] : memref<16384xi32, #tpu.memory_space<hbm>> -> memref<512xi32, #tpu.memory_space<hbm>>
      tpu.wait_dma2 semaphore(%run_scoped3A : memref<!tpu.dma_semaphore, #tpu.memory_space<semaphore_mem>>) src(%dma_wait3A_18 : memref<512xi32, #tpu.memory_space<hbm>>) dst(%arg9 : memref<512xi32, #tpu.memory_space<vmem>>)
      tpu.yield
    }) : () -> ()
    "tpu.region"() ({
      %run_scoped3A = tpu.sem_alloc : memref<!tpu.dma_semaphore, #tpu.memory_space<semaphore_mem>>
      tpu.enqueue_dma source(%arg6 : memref<16xf32, #tpu.memory_space<hbm>>) target(%arg12 : memref<16xf32, #tpu.memory_space<vmem>>) target_semaphore(%run_scoped3A : memref<!tpu.dma_semaphore, #tpu.memory_space<semaphore_mem>>)
      tpu.wait_dma2 semaphore(%run_scoped3A : memref<!tpu.dma_semaphore, #tpu.memory_space<semaphore_mem>>) src(%arg6 : memref<16xf32, #tpu.memory_space<hbm>>) dst(%arg12 : memref<16xf32, #tpu.memory_space<vmem>>)
      tpu.yield
    }) : () -> ()
    %dma_start3A = arith.constant 0 : i32
    %dma_start3A_3 = tpu.memref_slice %arg4[%dma_start3A] : memref<1000000xf32, #tpu.memory_space<hbm>> -> memref<1000000xf32, #tpu.memory_space<hbm>>
    tpu.enqueue_indirect_dma source(%dma_start3A_3 : memref<1000000xf32, #tpu.memory_space<hbm>>) target(%arg10 : memref<512xf32, #tpu.memory_space<vmem>>) offsets(%arg8 : memref<512xi32, #tpu.memory_space<vmem>>) semaphore(%arg14 : memref<!tpu.dma_semaphore, #tpu.memory_space<semaphore_mem>>)
    %dma_start3A_4 = arith.constant 0 : i32
    %dma_start3A_5 = tpu.memref_slice %arg5[%dma_start3A_4] : memref<1000000xf32, #tpu.memory_space<hbm>> -> memref<1000000xf32, #tpu.memory_space<hbm>>
    tpu.enqueue_indirect_dma source(%dma_start3A_5 : memref<1000000xf32, #tpu.memory_space<hbm>>) target(%arg11 : memref<512xf32, #tpu.memory_space<vmem>>) offsets(%arg9 : memref<512xi32, #tpu.memory_space<vmem>>) semaphore(%arg14 : memref<!tpu.dma_semaphore, #tpu.memory_space<semaphore_mem>>)
    %dma_wait3A = arith.constant 0 : i32
    %dma_wait3A_6 = tpu.memref_slice %arg4[%dma_wait3A] : memref<1000000xf32, #tpu.memory_space<hbm>> -> memref<1000000xf32, #tpu.memory_space<hbm>>
    tpu.wait_indirect_dma semaphore(%arg14 : memref<!tpu.dma_semaphore, #tpu.memory_space<semaphore_mem>>) src(%dma_wait3A_6 : memref<1000000xf32, #tpu.memory_space<hbm>>) dst(%arg10 : memref<512xf32, #tpu.memory_space<vmem>>)
    %dma_wait3A_7 = arith.constant 0 : i32
    %dma_wait3A_8 = tpu.memref_slice %arg5[%dma_wait3A_7] : memref<1000000xf32, #tpu.memory_space<hbm>> -> memref<1000000xf32, #tpu.memory_space<hbm>>
    tpu.wait_indirect_dma semaphore(%arg14 : memref<!tpu.dma_semaphore, #tpu.memory_space<semaphore_mem>>) src(%dma_wait3A_8 : memref<1000000xf32, #tpu.memory_space<hbm>>) dst(%arg11 : memref<512xf32, #tpu.memory_space<vmem>>)
    %get3A = arith.constant 0 : index
    %get3A_9 = tpu.vector_load %arg12[%get3A] {strides = array<i32>} : memref<16xf32, #tpu.memory_space<vmem>>, vector<16xf32>,
    %scan3A = arith.constant 0 : i32
    %scan3A_10 = arith.constant 0 : i32
    %scan3A_11 = arith.constant 32 : i32
    %scan3A_12 = arith.addi %scan3A_10, %scan3A_11 : i32
    %scan3A_13 = arith.constant 1 : i32
    scf.for %scan3A_15 = %scan3A_10 to %scan3A_12 step %scan3A_13  : i32 {
      %mul3A_16 = arith.constant 16 : i32
      %mul3A_17 = arith.muli %scan3A_15, %mul3A_16 : i32
      %get3A_18 = arith.index_cast %mul3A_17 : i32 to index
      %get3A_19 = tpu.vector_load %arg10[%get3A_18] {strides = array<i32>} : memref<512xf32, #tpu.memory_space<vmem>>, vector<16xf32>,
      %get3A_20 = arith.index_cast %mul3A_17 : i32 to index
      %get3A_21 = tpu.vector_load %arg11[%get3A_20] {strides = array<i32>} : memref<512xf32, #tpu.memory_space<vmem>>, vector<16xf32>,
      %add3A_22 = arith.addf %get3A_19, %get3A_21 : vector<16xf32>
      %add3A_23 = arith.addf %add3A_22, %get3A_9 : vector<16xf32>
      %jit3A = arith.constant 5.000000e-01 : f32
      %jit3A_24 = arith.constant 5.000000e+00 : f32
      %max3A = vector.broadcast %jit3A : f32 to vector<16xf32>
      %max3A_25 = arith.maximumf %max3A, %add3A_23 : vector<16xf32>
      %min3A = vector.broadcast %jit3A_24 : f32 to vector<16xf32>
      %min3A_26 = arith.minimumf %min3A, %max3A_25 : vector<16xf32>
      %swap3A = arith.index_cast %mul3A_17 : i32 to index
      %swap3A_27 = tpu.vector_load %arg13[%swap3A] {strides = array<i32>} : memref<512xf32, #tpu.memory_space<vmem>>, vector<16xf32>,
      tpu.vector_store %arg13[%swap3A], %min3A_26 {strides = array<i32>} : memref<512xf32, #tpu.memory_space<vmem>>, vector<16xf32>,
    }
    %scan3A_14 = arith.constant 32 : i32
    "tpu.region"() ({
      %run_scoped3A = tpu.sem_alloc : memref<!tpu.dma_semaphore, #tpu.memory_space<semaphore_mem>>
      %dma_start3A_15 = tpu.memref_slice %arg7[%mul3A_2] : memref<16384xf32, #tpu.memory_space<hbm>> -> memref<512xf32, #tpu.memory_space<hbm>>
      %dma_start3A_16 = tpu.memref_slice %arg7[%mul3A_2] : memref<16384xf32, #tpu.memory_space<hbm>> -> memref<512xf32, #tpu.memory_space<hbm>>
      tpu.enqueue_dma source(%arg13 : memref<512xf32, #tpu.memory_space<vmem>>) target(%dma_start3A_16 : memref<512xf32, #tpu.memory_space<hbm>>) target_semaphore(%run_scoped3A : memref<!tpu.dma_semaphore, #tpu.memory_space<semaphore_mem>>)
      %dma_wait3A_17 = tpu.memref_slice %arg7[%mul3A_2] : memref<16384xf32, #tpu.memory_space<hbm>> -> memref<512xf32, #tpu.memory_space<hbm>>
      %dma_wait3A_18 = tpu.memref_slice %arg7[%mul3A_2] : memref<16384xf32, #tpu.memory_space<hbm>> -> memref<512xf32, #tpu.memory_space<hbm>>
      tpu.wait_dma2 semaphore(%run_scoped3A : memref<!tpu.dma_semaphore, #tpu.memory_space<semaphore_mem>>) src(%arg13 : memref<512xf32, #tpu.memory_space<vmem>>) dst(%dma_wait3A_18 : memref<512xf32, #tpu.memory_space<hbm>>)
      tpu.yield
    }) : () -> ()
    return
  }
}

module attributes {stable_mosaic.version = 14 : i64} {
  func.func @_phase1(%arg0: i32, %arg1: memref<32x49152xf32, #tpu.memory_space<vmem>>, %arg2: memref<32x49152xf32, #tpu.memory_space<vmem>>, %arg3: memref<1x49152xf32, #tpu.memory_space<vmem>>, %arg4: memref<1x49152xf32, #tpu.memory_space<vmem>>, %arg5: memref<1x32xf32, #tpu.memory_space<vmem>>, %arg6: memref<1x32xf32, #tpu.memory_space<vmem>>, %arg7: memref<49152xf32, #tpu.memory_space<vmem>>, %arg8: memref<49152xf32, #tpu.memory_space<vmem>>) attributes {dimension_semantics = [#tpu.dimension_semantics<arbitrary>], iteration_bounds = array<i64: 21>, scalar_prefetch = 0 : i64, scratch_operands = 0 : i64, tpu.core_type = #tpu.core_type<tc>, window_params = [{transform_indices = @transform_0, window_bounds = array<i64: 32, 49152>}, {transform_indices = @transform_1, window_bounds = array<i64: 32, 49152>}, {transform_indices = @transform_2, window_bounds = array<i64: 1, 49152>}, {transform_indices = @transform_3, window_bounds = array<i64: 1, 49152>}, {pipeline_mode = #tpu.pipeline_mode<synchronous>, transform_indices = @transform_4, window_bounds = array<i64: 1, 32>}, {pipeline_mode = #tpu.pipeline_mode<synchronous>, transform_indices = @transform_5, window_bounds = array<i64: 1, 32>}, {transform_indices = @transform_6, window_bounds = array<i64: 49152>}, {transform_indices = @transform_7, window_bounds = array<i64: 49152>}]} {
    %get3A = arith.constant 0 : index
    %get3A_0 = arith.constant 0 : index
    %get3A_1 = vector.load %arg5[%get3A, %get3A_0] : memref<1x32xf32, #tpu.memory_space<vmem>>, vector<1x32xf32>
    %get3A_2 = arith.constant 0 : index
    %get3A_3 = arith.constant 0 : index
    %get3A_4 = vector.load %arg1[%get3A_2, %get3A_3] : memref<32x49152xf32, #tpu.memory_space<vmem>>, vector<32x49152xf32>
    %dot_general3A = arith.constant dense<0.000000e+00> : vector<1x49152xf32>
    %dot_general3A_5 = tpu.matmul %get3A_1, %get3A_4, %dot_general3A {dimension_numbers = #tpu.dot_dimension_numbers<[1], [0], [0], [1], [0, 0, 1, 1], [], []>, transpose_lhs_hint = false} : vector<1x32xf32>, vector<32x49152xf32>, vector<1x49152xf32> -> vector<1x49152xf32>
    %get3A_6 = arith.constant 0 : index
    %get3A_7 = arith.constant 0 : index
    %get3A_8 = vector.load %arg3[%get3A_6, %get3A_7] : memref<1x49152xf32, #tpu.memory_space<vmem>>, vector<1x49152xf32>
    %add3A = arith.addf %dot_general3A_5, %get3A_8 : vector<1x49152xf32>
    %squeeze3A = vector.shape_cast %add3A : vector<1x49152xf32> to vector<49152xf32>
    %swap3A = arith.constant 0 : index
    %swap3A_9 = vector.load %arg7[%swap3A] : memref<49152xf32, #tpu.memory_space<vmem>>, vector<49152xf32>
    tpu.vector_store %arg7[%swap3A], %squeeze3A {strides = array<i32>} : memref<49152xf32, #tpu.memory_space<vmem>>, vector<49152xf32>,
    %get3A_10 = arith.constant 0 : index
    %get3A_11 = arith.constant 0 : index
    %get3A_12 = vector.load %arg6[%get3A_10, %get3A_11] : memref<1x32xf32, #tpu.memory_space<vmem>>, vector<1x32xf32>
    %get3A_13 = arith.constant 0 : index
    %get3A_14 = arith.constant 0 : index
    %get3A_15 = vector.load %arg2[%get3A_13, %get3A_14] : memref<32x49152xf32, #tpu.memory_space<vmem>>, vector<32x49152xf32>
    %dot_general3A_16 = arith.constant dense<0.000000e+00> : vector<1x49152xf32>
    %dot_general3A_17 = tpu.matmul %get3A_12, %get3A_15, %dot_general3A_16 {dimension_numbers = #tpu.dot_dimension_numbers<[1], [0], [0], [1], [0, 0, 1, 1], [], []>, transpose_lhs_hint = false} : vector<1x32xf32>, vector<32x49152xf32>, vector<1x49152xf32> -> vector<1x49152xf32>
    %get3A_18 = arith.constant 0 : index
    %get3A_19 = arith.constant 0 : index
    %get3A_20 = vector.load %arg4[%get3A_18, %get3A_19] : memref<1x49152xf32, #tpu.memory_space<vmem>>, vector<1x49152xf32>
    %add3A_21 = arith.addf %dot_general3A_17, %get3A_20 : vector<1x49152xf32>
    %squeeze3A_22 = vector.shape_cast %add3A_21 : vector<1x49152xf32> to vector<49152xf32>
    %swap3A_23 = arith.constant 0 : index
    %swap3A_24 = vector.load %arg8[%swap3A_23] : memref<49152xf32, #tpu.memory_space<vmem>>, vector<49152xf32>
    tpu.vector_store %arg8[%swap3A_23], %squeeze3A_22 {strides = array<i32>} : memref<49152xf32, #tpu.memory_space<vmem>>, vector<49152xf32>,
    return
  }
  func.func @transform_0(%arg0: i32) -> (i32, i32) {
    %c0_i32 = arith.constant 0 : i32
    %c0_i32_0 = arith.constant 0 : i32
    return %c0_i32, %arg0 : i32, i32
  }
  func.func @transform_1(%arg0: i32) -> (i32, i32) {
    %c0_i32 = arith.constant 0 : i32
    %c0_i32_0 = arith.constant 0 : i32
    return %c0_i32, %arg0 : i32, i32
  }
  func.func @transform_2(%arg0: i32) -> (i32, i32) {
    %c0_i32 = arith.constant 0 : i32
    %c0_i32_0 = arith.constant 0 : i32
    return %c0_i32, %arg0 : i32, i32
  }
  func.func @transform_3(%arg0: i32) -> (i32, i32) {
    %c0_i32 = arith.constant 0 : i32
    %c0_i32_0 = arith.constant 0 : i32
    return %c0_i32, %arg0 : i32, i32
  }
  func.func @transform_4(%arg0: i32) -> (i32, i32) {
    %c0_i32 = arith.constant 0 : i32
    %c0_i32_0 = arith.constant 0 : i32
    %c0_i32_1 = arith.constant 0 : i32
    return %c0_i32, %c0_i32_0 : i32, i32
  }
  func.func @transform_5(%arg0: i32) -> (i32, i32) {
    %c0_i32 = arith.constant 0 : i32
    %c0_i32_0 = arith.constant 0 : i32
    %c0_i32_1 = arith.constant 0 : i32
    return %c0_i32, %c0_i32_0 : i32, i32
  }
  func.func @transform_6(%arg0: i32) -> i32 {
    %c0_i32 = arith.constant 0 : i32
    return %arg0 : i32
  }
  func.func @transform_7(%arg0: i32) -> i32 {
    %c0_i32 = arith.constant 0 : i32
    return %arg0 : i32
  }
}

</mosaic_0001>

<sc_bundles>
// kernel: kernel.4.cloned.1.call-start
scs
__scs_entry_jumppad:
0x0: {  	(pc) =	sbr.rel $0x88, $3  }
0x1: {  	(tag) =	ssettag $0x0;
	lr =	simm.s32 $0x1  }
0x2: {  	[smem:$0x3F99] =	sst lr;
	_ =	strace $0xD0000000  }
0x3: {  	_ = 	snop  }
0x4: {  	_ = 	snop  }
0x5: {  	_ = 	snop  }
0x6: {  	_ = 	snop  }
0x7: {  	_ = 	snop  }
__scs_overlays_trampoline_lowered:
0x8: {  	[smem:$0x3FA8] =	sst s0  }
0x9: {  	[smem:$0x3FA9] =	sst s1  }
0xa: {  	[smem:$0x3FAA] =	sst s2  }
0xb: {  	[smem:$0x3FAB] =	sst s3  }
0xc: {  	[smem:$0x3FAC] =	sst s4  }
0xd: {  	[smem:$0x3FAD] =	sst s5  }
0xe: {  	[smem:$0x3FAE] =	sst s6  }
0xf: {  	[smem:$0x3FAF] =	sst s7  }
0x10: {  	[smem:$0x3FB0] =	sst s8  }
0x11: {  	[smem:$0x3FB1] =	sst s9;
	s0 =	simm.s32 @!p0 $0x0  }
0x12: {  	s1 =	sld [smem:$0x3F97];
	s0 =	simm.s32 @p0 $0x1  }
0x13: {  	[smem:$0x3FB2] =	sst s0;
	s0 =	simm.s32 @!p1 $0x0  }
0x14: {  	s2 =	sld [smem:$0x3F96];
	s0 =	simm.s32 @p1 $0x1  }
0x15: {  	[smem:$0x3FB3] =	sst s0;
	s0 =	simm.s32 @!p2 $0x0  }
0x16: {  	s3 =	sld [smem:$0x3FDB];
	s0 =	simm.s32 @p2 $0x1  }
0x17: {  	s4 =	simm.s32 $0x1BF5;
	[smem:$0x3FB5] =	sst s0  }
0x18: {  	s0 =	sld [smem:$0x3F98];
	_ =	swait.ge [sflag:s4], $0x0  }
0x19: {  	s7 =	sld [smem:$0x3F99]  }
0x1a: {  	s8 =	sadd.s32 $0xFFFFE003, lr  }
0x1b: {  	s9 =	sadd.s32 $0xFFFFFEF7, lr;
	s5 =	simm.s32 $0xFFFFFFFF;
	p2 =	slt.u32 s8, $0xFFFFF086  }
0x1c: {  	p1 =	slt.u32 s9, $0xF7A;
	s5 =	simm.s32 @!p2 $0x0  }
0x1d: {  	s5 =	simm.s32 @p1 $0x1;
	p0 =	seq.s32 s7, s2  }
0x1e: {  	s7 =	smul.u32 @!p0 $0xF7A, s2;
	p2 =	seq.s32 @!p0 s5, $0x0  }
0x1f: {  	s9 =	smul.u32 $0xF7A, s1;
	s8 =	simm.s32 @!p0 $0x1BF5;
	p2 =	por !p2, p0  }
0x20: {  	[sflag:s8] =	ssyncset.s32 @!p0 $0xFFFFF086;
	s6 =	sadd.s32 @!p0 s3, s7;
	s7 =	simm.s32 @!p0 $0x108  }
0x21: {  	s3 =	sadd.s32 s3, s9;
	s6 =	sadd.s32 @!p0 $0x88, s6;
	s7 =	simm.s32 @p2 $0x1082  }
0x22: {  	[simem:s7], [sflag:s8] =	dma.local @!p0 [hbm:s6], $0xF7A  }
0x23: {  	s9 =	sor.u32 $0xD0000000, s2;
	s6 =	simm.s32 $0x108;
	_ =	swait.ge @!p0 [sflag:s8], $0x0  }
0x24: {  	s3 =	sadd.s32 $0x88, s3;
	s6 =	simm.s32 @!p1 $0x1082;
	[sflag:s4] =	ssyncset.s32 $0xFFFFF086  }
0x25: {  	[simem:s6], [sflag:s4] =	dma.local [hbm:s3], $0xF7A  }
0x26: {  	[smem:$0x3F99] =	sst s1;
	(tag) =	ssettag s2;
	_ =	strace s9  }
0x27: {  	s1 =	sld [smem:$0x3FA9]  }
0x28: {  	s2 =	sld [smem:$0x3FAA]  }
0x29: {  	s4 =	sld [smem:$0x3FAC]  }
0x2a: {  	p0 =	seq.s32 s5, $0x0;
	s5 =	sld [smem:$0x3FAD]  }
0x2b: {  	s6 =	sld [smem:$0x3FAE]  }
0x2c: {  	s7 =	sld [smem:$0x3FAF]  }
0x2d: {  	s3 =	simm.s32 $0x108;
	s8 =	sld [smem:$0x3FB0]  }
0x2e: {  	s3 =	simm.s32 @!p0 $0x1082;
	s9 =	sld [smem:$0x3FB1]  }
0x2f: {  	lr =	sadd.s32 s0, s3;
	s0 =	sld [smem:$0x3FA8]  }
0x30: {  	s3 =	sld [smem:$0x3FAB]  }
0x31: {  	[smem:$0x3FB4] =	sst s10  }
0x32: {  	s10 =	sld [smem:$0x3FB2];
	_ =	sdelay $0x3  }
0x33: {  	p0 =	seq.s32 s10, $0x1;
	s10 =	sld [smem:$0x3FB4];
	_ =	sdelay $0x3  }
0x34: {  	[smem:$0x3FB4] =	sst s10  }
0x35: {  	s10 =	sld [smem:$0x3FB3];
	_ =	sdelay $0x3  }
0x36: {  	p1 =	seq.s32 s10, $0x1;
	s10 =	sld [smem:$0x3FB4];
	_ =	sdelay $0x3  }
0x37: {  	[smem:$0x3FB4] =	sst s10  }
0x38: {  	s10 =	sld [smem:$0x3FB5]  }
0x39: {  	_ = 	snop;
	(pc) =	sbr.ind lr, $3  }
0x3a: {  	_ = 	snop  }
0x3b: {  	_ = 	snop  }
0x3c: {  	p2 =	seq.s32 s10, $0x1;
	s10 =	sld [smem:$0x3FB4]  }
0x3d: {  	_ =	shalt  }
0x3e: {  	_ =	shalt  }
0x3f: {  	_ =	shalt  }
0x40: {  	_ =	shalt  }
0x41: {  	_ =	shalt  }
0x42: {  	_ =	shalt  }
0x43: {  	_ =	shalt  }
0x44: {  	_ =	shalt  }
0x45: {  	_ =	shalt  }
0x46: {  	_ =	shalt  }
0x47: {  	_ =	shalt  }
0x48: {  	_ =	shalt  }
0x49: {  	_ =	shalt  }
0x4a: {  	_ =	shalt  }
0x4b: {  	_ =	shalt  }
0x4c: {  	_ =	shalt  }
0x4d: {  	_ =	shalt  }
0x4e: {  	_ =	shalt  }
0x4f: {  	_ =	shalt  }
0x50: {  	_ =	shalt  }
0x51: {  	_ =	shalt  }
0x52: {  	_ =	shalt  }
0x53: {  	_ =	shalt  }
0x54: {  	_ =	shalt  }
0x55: {  	_ =	shalt  }
0x56: {  	_ =	shalt  }
0x57: {  	_ =	shalt  }
0x58: {  	_ =	shalt  }
0x59: {  	_ =	shalt  }
0x5a: {  	_ =	shalt  }
0x5b: {  	_ =	shalt  }
0x5c: {  	_ =	shalt  }
0x5d: {  	_ =	shalt  }
0x5e: {  	_ =	shalt  }
0x5f: {  	_ =	shalt  }
0x60: {  	_ =	shalt  }
0x61: {  	_ =	shalt  }
0x62: {  	_ =	shalt  }
0x63: {  	_ =	shalt  }
0x64: {  	_ =	shalt  }
0x65: {  	_ =	shalt  }
0x66: {  	_ =	shalt  }
0x67: {  	_ =	shalt  }
0x68: {  	_ =	shalt  }
0x69: {  	_ =	shalt  }
0x6a: {  	_ =	shalt  }
0x6b: {  	_ =	shalt  }
0x6c: {  	_ =	shalt  }
0x6d: {  	_ =	shalt  }
0x6e: {  	_ =	shalt  }
0x6f: {  	_ =	shalt  }
0x70: {  	_ =	shalt  }
0x71: {  	_ =	shalt  }
0x72: {  	_ =	shalt  }
0x73: {  	_ =	shalt  }
0x74: {  	_ =	shalt  }
0x75: {  	_ =	shalt  }
0x76: {  	_ =	shalt  }
0x77: {  	_ =	shalt  }
0x78: {  	_ =	shalt  }
0x79: {  	_ =	shalt  }
0x7a: {  	_ =	shalt  }
0x7b: {  	_ =	shalt  }
0x7c: {  	_ =	shalt  }
0x7d: {  	_ =	shalt  }
0x7e: {  	_ =	shalt  }
0x7f: {  	_ =	shalt  }
0x80: {  	_ =	shalt  }
0x81: {  	_ =	shalt  }
0x82: {  	_ =	shalt  }
0x83: {  	_ =	shalt  }
0x84: {  	_ =	shalt  }
0x85: {  	_ =	shalt  }
0x86: {  	_ =	shalt  }
0x87: {  	_ =	shalt  }
.Lfunc_end0:
.L_simem_size_0:
called_computation_lowered:
.L_overlay_start_0:
0x88: {  	s2 =	sld [smem:$0x3FD9]  }
0x89: {  	s3 =	sld [smem:$0x3FFE];
	_ =	sdelay $0x1  }
0x8a: {  	s1 =	srdreg.scid  }
0x8b: {  	s0 =	sand.u32 $0x1, s1  }
0x8c: {  	s17 =	sshll.u32 s0, $0xA;
	s2 =	sadd.s32 s3, s2  }
0x8d: {  	s2 =	sadd.s32 s2, s17  }
0x8e: {  	[smem:$0x3FC0] =	sst s2  }
0x8f: {  	_ = 	snop  }
0x90: {  	s2 =	sld [smem:$0x3FC9]  }
0x91: {  	s18 =	sld [smem:$0x3FC8]  }
0x92: {  	s4 =	sld [smem:$0x3FD0];
	(tm) =	ssettm $0x1  }
0x93: {  	s5 =	sld [smem:$0x3FFB];
	_ =	sdelay $0x3  }
0x94: {  	_ =	strace s5  }
0x95: {  	s5 =	sld [smem:$0x3FFC];
	_ =	sdelay $0x3  }
0x96: {  	_ =	strace s5  }
0x97: {  	s5 =	sld [smem:$0x3FFD];
	_ =	sdelay $0x3  }
0x98: {  	_ =	strace s5  }
0x99: {  	_ =	strace $0x8FFFFFFF  }
0x9a: {  	s19 =	sld [smem:$0x3FDB];
	_ =	sdelay $0x1  }
0x9b: {  	s6 =	simm.s32 $_scs_section_size  }
0x9c: {  	s7 =	simm.s32 $_size__tile_overlayer_lowered;
	s8 =	simm.s32 $_tile_overlayer_lowered  }
0x9d: {  	s22 =	simm.s32 $0x1BFF;
	s21 =	sshll.u32 s8, $0x1;
	s5 =	sadd.s32 s6, s19  }
0x9e: {  	s9 =	simm.s32 $0x0;
	s20 =	sshll.u32 s7, $0x1;
	s7 =	sadd.s32 s21, s5  }
0x9f: {  	[timem:s9], [sflag:s22] =	dma.local [hbm:s7], s20  }
0xa0: {  	_ =	swait.ge [sflag:s22], s20  }
0xa1: {  	s6 =	ssub.s32 $0x0, s20;
	[sflag:s22] =	ssyncset.done $0x0  }
0xa2: {  	[sflag:s22] =	ssyncadd.s32 s6;
	_ =	sdelay $0x1  }
0xa3: {  	s23 =	simm.s32 $0x1B8B  }
0xa4: {  	_ =	swait.ge [sflag:s23], $0x1  }
0xa5: {  	[sflag:s23] =	ssyncset.done $0x0  }
0xa6: {  	s25 =	simm.s32 $0x1B8E;
	s24 =	sld [smem:$0x3FFE];
	[sflag:s23] =	ssyncadd.s32 $0xFFFFFFFF  }
0xa7: {  	s26 =	simm.s32 $execute0_lowered;
	[smem:$0x3FD2] =	sst s25  }
0xa8: {  	s7 =	sshll.u32 s26, $0x1;
	_ =	strace $0x80000046;
	[dreg:$0x1] =	wrdreg $0xFFFFFFFF  }
0xa9: {  	s28 =	simm.s32 $_size_execute0_lowered;
	s5 =	sadd.s32 s5, s7;
	[dreg:$0x0] =	wrdreg $0x0  }
0xaa: {  	s7 =	sshll.u32 s28, $0x1;
	[dreg:$0x2] =	wrdreg s5  }
0xab: {  	[dreg:$0x3] =	wrdreg s7  }
0xac: {  	[dreg:$0x4] =	wrdreg $0xC0  }
0xad: {  	_ =	task [dreg:s9], $0x5FFFF  }
0xae: {  	[dreg:$0x1] =	wrdreg $0xFFFFFFFF  }
0xaf: {  	[dreg:$0x0] =	wrdreg $0x60  }
0xb0: {  	[dreg:$0x2] =	wrdreg s2  }
0xb1: {  	[dreg:$0x3] =	wrdreg s18  }
0xb2: {  	[dreg:$0x4] =	wrdreg s24  }
0xb3: {  	[dreg:$0x5] =	wrdreg s4  }
0xb4: {  	[dreg:$0x6] =	wrdreg $0x9  }
0xb5: {  	_ =	task.clear_ibuf [dreg:s9], $0x7FFFF;
	_ =	strace $0x90000046  }
0xb6: {  	s29 =	simm.s32 $0x9;
	_ =	strace $0x80000048  }
0xb7: {  	_ =	swait.ge [sflag:s29], $0x1  }
0xb8: {  	[sflag:s29] =	ssyncadd.s32 $0xFFFFFFFF  }
0xb9: {  	_ =	strace $0x90000048  }
0xba: {  	_ =	sfence  }
0xbb: {  	s30 =	sld [smem:$0x0];
	_ =	sdelay $0x2  }
0xbc: {  	s31 =	sshll.u32 s1, $0xD;
	s1 =	sshrl.u32 s1, $0x2  }
0xbd: {  	s3 =	sand.u32 $0x4000, s31;
	s1 =	sadd.s32 s1, s30  }
0xbe: {  	s0 =	sor.u32 s3, s0;
	s1 =	sshll.u32 s1, $0x11  }
0xbf: {  	s0 =	sor.u32 s1, s0  }
0xc0: {  	s0 =	sadd.s32 $0x8F2B, s0  }
0xc1: {  	[sflag:s0] =	ssyncadd.remote.s32 $0x1  }
0xc2: {  	_ =	sfence.sel $0xFFFF  }
0xc3: {  	[dreg:$0x0] =	wrdreg $0xFFFFFFFF;
	(pc) =	sbr.abs _section_cstart, $3  }
0xc4: {  	[dreg:$0x1] =	wrdreg $0xFFFFFFFF  }
0xc5: {  	_ =	task.clear_ibuf [dreg:s9], $0x2FFFF;
	_ =	strace $0x9FFFFFFF  }
0xc6: {  	(tm) =	ssettm $0x7FFFFFFF  }
0xc7: {  	_ =	shalt  }
tec
execute0_lowered:
.L_overlay_start_1:
0x0: {  	(tag) =	ssettag $0x1  }
0x1: {  	s6 =	rddreg [dreg:$0x0]  }
0x2: {  	s7 =	rddreg [dreg:$0x1]  }
0x3: {  	s5 =	rddreg [dreg:$0x2]  }
0x4: {  	s8 =	rddreg [dreg:$0x3]  }
0x5: {  	s0 =	rddreg [dreg:$0x4]  }
0x6: {  	s1 =	simm.s32 $0x0;
	s2 =	srdreg.scid;
	s13 =	simm.s32 $0x400  }
0x7: {  	s14 =	simm.s32 $0x600;
	s15 =	simm.s32 $0x1;
	s16 =	simm.s32 $0x810  }
0x8: {  	s17 =	simm.s32 $0x0;
	[smem:$0x7FF] =	sst s1;
	s3 =	sadd.s32 $0x1000, s5  }
0x9: {  	s9 =	sand.u32 $0x1, s2;
	s4 =	sadd.s32 $0x1FA00, s5;
	s2 =	stileid.u32  }
0xa: {  	s5 =	sadd.s32 $0x3E400, s5;
	_ =	strace $0x80000047;
	s10 =	ssub.s32 $0x2, s9  }
0xb: {  	s12 =	sshll.u32 s2, $0x7;
	s9 =	sshll.u32 s9, $0x6;
	s11 =	sshrl.u32 s10, $0x1  }
0xc: {  	s9 =	sor.u32 s9, s12;
	s12 =	simm.s32 $0x800;
	s10 =	ssub.s32 s10, s11  }
0xd: {  	s6 =	sadd.s32 s6, s9;
	s7 =	sadd.s32 s7, s9;
	s8 =	sadd.s32 s8, s9  }
0xe: {  	s11 =	simm.s32 $0x200;
	s9 =	smax.u32 s10, $0x1;
	s10 =	simm.s32 $0x2  }
.LBB2_1:
0xf: {  	[tilespmem:s1], [sflag:$0x2] =	stream.linear.gather [hbm4b:s6+s1], $0x200, $0x38;
	[tilespmem:$0xA10] =	vst v63  }
0x10: {  	_ =	swait.ge [sflag:s10], $0x200  }
0x11: {  	[sflag:s10] =	ssyncset.done $0x0  }
0x12: {  	[sflag:s10] =	ssyncadd.s32 $0xFFFFFE00  }
0x13: {  	[tilespmem:s11], [sflag:$0x2] =	stream.linear.gather [hbm4b:s7+s1], $0x200, $0x38;
	[tilespmem:$0xA10] =	vst v63  }
0x14: {  	_ =	swait.ge [sflag:s10], $0x200  }
0x15: {  	[sflag:s10] =	ssyncset.done $0x0  }
0x16: {  	[sflag:s10] =	ssyncadd.s32 $0xFFFFFE00  }
0x17: {  	[tilespmem:s12], [sflag:$0x2] =	stream.linear.gather [hbm4b:s5+s1], $0x10, $0x38;
	[tilespmem:$0xA10] =	vst v63  }
0x18: {  	_ =	swait.ge [sflag:s10], $0x10  }
0x19: {  	[sflag:s10] =	ssyncset.done $0x0  }
0x1a: {  	[sflag:s10] =	ssyncadd.s32 $0xFFFFFFF0  }
0x1b: {  	[tilespmem:s13], [sflag:$0x1] =	stream.indirect.gather [hbm4b:s3+s11], $0x1, s1, s11, $0xb8;
	[tilespmem:$0xA10] =	vst v63  }
0x1c: {  	_ = 	snop  }
0x1d: {  	[tilespmem:s14], [sflag:$0x1] =	stream.indirect.gather [hbm4b:s4+s11], $0x1, s11, s11, $0xb8;
	[tilespmem:$0xA10] =	vst v63  }
0x1e: {  	_ =	swait.ge [sflag:s15], $0x200  }
0x1f: {  	[sflag:s15] =	ssyncset.done $0x0  }
0x20: {  	[sflag:s15] =	ssyncadd.s32 $0xFFFFFE00  }
0x21: {  	_ =	swait.ge [sflag:s15], $0x200  }
0x22: {  	[sflag:s15] =	ssyncset.done $0x0  }
0x23: {  	s18 =	simm.s32 $0x0;
	[sflag:s15] =	ssyncadd.s32 $0xFFFFFE00  }
0x24: {  	v1 =	vld [tilespmem:s18+$0x400]  }
0x25: {  	v2 =	vld [tilespmem:s18+$0x600];
	_ =	sdelay $0x1  }
0x26: {  	v0 =	vld [tilespmem:$0x800];
	_ =	sdelay $0x2  }
0x27: {  	s19 =	simm.s32 $0x10;
	v1 =	vadd.f32 v2, v1  }
0x28: {  	v2 =	vld [tilespmem:s19+$0x600]  }
0x29: {  	v3 =	vadd.f32 v1, v0;
	v1 =	vld [tilespmem:s19+$0x400];
	_ =	sdelay $0x2  }
0x2a: {  	s20 =	simm.s32 $0x80;
	v3 =	vmax.f32 v3, $5.000000000e-01  }
.LBB2_2:
0x2b: {  	s21 =	sshra.s32 s20, $0x2;
	v3 =	vmin.f32 v3, $5.000000000e+00;
	p0 =	sne.s32 s20, $0x7C0  }
.Ltmp0:
0x2c: {  	s20 =	sadd.s32 $0x40, s20;
	v4 =	vadd.f32 v2, v1;
	v1 =	vld [tilespmem:s21+$0x400];
	[tilespmem:s18+$0x810] =	vst v3;
	(pc) =	sbr.rel @p0 .LBB2_2-.Ltmp0, $3  }
0x2d: {  	s18 =	smov.u32 s19;
	s19 =	smov.u32 s21;
	v2 =	vld [tilespmem:s21+$0x600]  }
0x2e: {  	v3 =	vadd.f32 v4, v0;
	_ =	sdelay $0x1  }
0x2f: {  	v3 =	vmax.f32 v3, $5.000000000e-01  }
0x30: {  	_ = 	snop  }
0x31: {  	v1 =	vadd.f32 v2, v1;
	_ =	sdelay $0x1  }
0x32: {  	v0 =	vadd.f32 v1, v0;
	_ =	sdelay $0x1  }
0x33: {  	v63 =	vmin.f32 v3, $5.000000000e+00;
	s17 =	sadd.s32 $0x1, s17;
	v0 =	vmax.f32 v0, $5.000000000e-01  }
0x34: {  	[tilespmem:s18+$0x810] =	vst v63;
	p0 =	sne.s32 s17, s9;
	v0 =	vmin.f32 v0, $5.000000000e+00  }
.Ltmp1:
0x35: {  	[tilespmem:s19+$0x810] =	vst v0;
	(pc) =	sbr.rel @p0 .LBB2_1-.Ltmp1, $4  }
0x36: {  	[hbm4b:s8+s1] =	stream.linear.scatter [tilespmem:s16], [sflag:$0x2], $0x200, $0x38;
	[tilespmem:$0xA10] =	vst v63  }
0x37: {  	_ =	swait.ge [sflag:s10], $0x200  }
0x38: {  	[sflag:s10] =	ssyncset.done $0x0  }
0x39: {  	[sflag:s10] =	ssyncadd.s32 $0xFFFFFE00  }
0x3a: {  	_ =	sfence.sel $0x180000  }
0x3b: {  	[bflag:$0x0] =	sbarrier.arrive $0xFFFF  }
0x3c: {  	p0 =	sne.s32 s2, $0x0;
	_ =	strace $0x90000047  }
0x3d: {  	s0 =	sadd.s32 @!p0 $0x100000, s0;
	[bflag:$0x2] =	sbarrier.arrive $0xFFFF  }
0x3e: {  	[sflag:s0] =	ssyncadd.tile.s32 @!p0 $0x1;
	_ =	shalt  }
.Lfunc_end2:
_tile_overlayer_lowered:
.L_overlay_start_2:
0x3f: {  	(tag) =	ssettag $0x2  }
0x40: {  	s0 =	rddreg [dreg:$0x0];
	s2 =	stileid.u32  }
0x41: {  	s1 =	rddreg [dreg:$0x1];
	p0 =	sne.s32 s2, $0x0  }
0x42: {  	s3 =	rddreg [dreg:$0x2];
	[bflag:$0x3] =	sbarrier.arrive $0xFFFF;
	s2 =	simm.s32 @!p0 $0x1C02  }
0x43: {  	[timem:s3], [sflag:s2] =	dma.local @!p0 [hbm:s0], s1  }
0x44: {  	s0 =	simm.s32 @!p0 $0x2  }
0x45: {  	_ =	swait.ge @!p0 [sflag:s0], s1  }
0x46: {  	s1 =	ssub.s32 @!p0 $0x0, s1;
	[sflag:s0] =	ssyncset.done @!p0 $0x0  }
0x47: {  	[sflag:s0] =	ssyncadd.s32 @!p0 s1  }
0x48: {  	[bflag:$0x3] =	sbarrier.arrive $0xFFFF  }
0x49: {  	_ =	shalt  }

</sc_bundles>
